<compile_context>
chip_gen: v7x
topology: tpu7x:2x2x1
jax: 0.10.2.dev20260603
libtpu: 0.0.44.dev20260713+nightly
codegen_flags: <defaults>
</compile_context>

<pallas_src>
import functools
import math

import jax
import jax.numpy as jnp
from jax import lax
from jax.experimental import pallas as pl
from jax.experimental.pallas import tpu as pltpu
from jax.experimental.pallas import tpu_sc as plsc

DIM = 128
BLOCK_SIZE = 128
TOP_K = 16
TEMPERATURE = 5.0
BM = 256

_INTERPRET = False


def _tc_body(p_ref, state_ref, wq_ref, bq_ref, wk_ref, bk_ref, logits_ref):
    b = p_ref.shape[0]

    q = lax.dot_general(state_ref[...], wq_ref[...],
                        (((1,), (1,)), ((), ())),
                        preferred_element_type=jnp.float32) + bq_ref[...]

    p = p_ref[...]
    pf = p.reshape(b * BM, DIM)
    k = lax.dot_general(pf, wk_ref[...],
                        (((1,), (1,)), ((), ())),
                        preferred_element_type=jnp.float32) + bk_ref[...]

    s_all = lax.dot_general(k, q, (((1,), (1,)), ((), ())),
                            preferred_element_type=jnp.float32)
    s3 = s_all.reshape(b, BM, b)
    eq = (lax.broadcasted_iota(jnp.int32, (b, BM, b), 0)
          == lax.broadcasted_iota(jnp.int32, (b, BM, b), 2))
    logits_ref[...] = (jnp.sum(jnp.where(eq, s3, 0.0), axis=2)
                       / math.sqrt(DIM))


def _tc_logits(peripheral_map, state, Wq, bq, Wk, bk):
    B, M, D = peripheral_map.shape
    return pl.pallas_call(
        _tc_body,
        grid=(M // BM,),
        in_specs=[
            pl.BlockSpec((B, BM, D), lambda i: (0, i, 0)),
            pl.BlockSpec((B, D), lambda i: (0, 0)),
            pl.BlockSpec((D, D), lambda i: (0, 0)),
            pl.BlockSpec((1, D), lambda i: (0, 0)),
            pl.BlockSpec((D, D), lambda i: (0, 0)),
            pl.BlockSpec((1, D), lambda i: (0, 0)),
        ],
        out_specs=pl.BlockSpec((B, BM), lambda i: (0, i)),
        out_shape=jax.ShapeDtypeStruct((B, M), jnp.float32),
        compiler_params=pltpu.CompilerParams(
            dimension_semantics=("arbitrary",)),
        interpret=_INTERPRET,
    )(peripheral_map, state, Wq, bq.reshape(1, D), Wk, bk.reshape(1, D))


def _sc_topk_call(logits):
    B, M = logits.shape
    info = plsc.get_sparse_core_info()
    nw = info.num_cores * info.num_subcores
    rows_per_w = B // nw
    nchunks = M // 16
    mesh = plsc.VectorSubcoreMesh(core_axis_name="c", subcore_axis_name="s")

    @functools.partial(
        pl.kernel, mesh=mesh,
        out_type=[
            jax.ShapeDtypeStruct((B, TOP_K), jnp.int32),
            jax.ShapeDtypeStruct((B, TOP_K), jnp.int32),
            jax.ShapeDtypeStruct((B, TOP_K), jnp.float32),
        ],
        scratch_types=[
            pltpu.VMEM((M,), jnp.float32),
            pltpu.VMEM((TOP_K,), jnp.int32),
            pltpu.VMEM((TOP_K,), jnp.int32),
            pltpu.VMEM((TOP_K,), jnp.float32),
        ],
        compiler_params=pltpu.CompilerParams(needs_layout_passes=False),
    )
    def sc_topk(logits_hbm, bfp_hbm, idx_hbm, w_hbm,
                row_v, sb_v, si_v, sw_v):
        wid = lax.axis_index("s") * 2 + lax.axis_index("c")
        lane = lax.iota(jnp.int32, 16)
        for t in range(rows_per_w):
            r = wid * rows_per_w + t
            pltpu.sync_copy(logits_hbm.at[r], row_v)

            c0 = row_v[pl.ds(0, 16)]
            cv, ci = plsc.sort_key_val(c0, lane, descending=True)
            thr = lax.reduce_min(cv, (0,))

            def step(c, carry):
                cv, ci, thr = carry

                def merge(args):
                    cv, ci = args
                    ch = row_v[pl.ds(c * 16, 16)]
                    chs, chi = plsc.sort_key_val(ch, lane + c * 16,
                                                 descending=False)
                    newv = jnp.maximum(cv, chs)
                    keep = cv >= chs
                    newi = jnp.where(keep, ci, chi)
                    cv2, ci2 = plsc.sort_key_val(newv, newi,
                                                 descending=True)
                    return cv2, ci2, lax.reduce_min(cv2, (0,))

                ch = row_v[pl.ds(c * 16, 16)]
                any_big = jnp.any(ch > thr)
                return lax.cond(any_big, merge,
                                lambda args: (args[0], args[1], thr),
                                (cv, ci))

            cv, ci, thr = lax.fori_loop(1, nchunks, step, (cv, ci, thr))

            mx = lax.reduce_max(cv, (0,))
            e = jnp.exp((cv - mx) / TEMPERATURE)
            w = e / lax.reduce_sum(e, (0,))

            sb_v[...] = ci * BLOCK_SIZE
            si_v[...] = ci
            sw_v[...] = w
            pltpu.sync_copy(sb_v, bfp_hbm.at[r])
            pltpu.sync_copy(si_v, idx_hbm.at[r])
            pltpu.sync_copy(sw_v, w_hbm.at[r])

    return sc_topk(logits)


def kernel(peripheral_map, state, Wq, bq, Wk, bk):
    logits = _tc_logits(peripheral_map, state, Wq, bq, Wk, bk)
    bfp16, idx, w = _sc_topk_call(logits)
    return (bfp16[:, 0], logits, idx, w)

# --- scband reference (transcript-rebuilt; emitter-appended) ---
"""Pipeline reference for scband-saccadic-controller-16458314678647 (READ-ONLY COPY).

The authoritative reference and input builder live on the scoring server;
editing this copy changes nothing except your own understanding.
"""

import math
import jax, jax.numpy as jnp
import numpy as np

DIM = 128
BLOCK_SIZE = 128
TOP_K = 16
TEMPERATURE = 5.0
B, M = 64, 8192


def setup_inputs(seed: int = 0) -> dict:
    key = jax.random.key(seed)
    ks = jax.random.split(key, 4)
    scale = 1.0 / math.sqrt(DIM)
    return {
        "peripheral_map": jax.random.normal(ks[0], (B, M, DIM), dtype=jnp.float32),
        "state": jax.random.normal(ks[1], (B, DIM), dtype=jnp.float32),
        "Wq": jax.random.normal(ks[2], (DIM, DIM), dtype=jnp.float32) * scale,
        "bq": jnp.zeros((DIM,), dtype=jnp.float32),
        "Wk": jax.random.normal(ks[3], (DIM, DIM), dtype=jnp.float32) * scale,
        "bk": jnp.zeros((DIM,), dtype=jnp.float32),
    }


def reference(peripheral_map, state, Wq, bq, Wk, bk):
    # q_proj(state): Linear => state @ Wq.T + bq
    q = state @ Wq.T + bq                                        # [B, D]
    # k_proj(peripheral_map)
    k = jnp.einsum('bmd,ed->bme', peripheral_map, Wk) + bk       # [B, M, D]
    scores = jnp.einsum('bd,bmd->bm', q, k) / math.sqrt(DIM)     # [B, M]
    logits = scores
    # training branch (nn.Module default training=True)
    kk = min(TOP_K, scores.shape[1])
    topk_vals, topk_idx = jax.lax.top_k(scores, kk)              # [B, K]
    topk_weights = jax.nn.softmax(topk_vals / TEMPERATURE, axis=-1)
    best_fp = (topk_idx[:, 0] * BLOCK_SIZE).astype(jnp.int32)
    return (best_fp, logits, topk_idx, topk_weights)

if __name__ == "__main__":
    import jax
    _d = setup_inputs()
    print(jax.jit(kernel)(*tuple(_d.values())))

</pallas_src>

<mosaic_0001>
#map = affine_map<(d0, d1) -> (0, 0)>
module attributes {stable_mosaic.version = 14 : i64} {
  func.func @sc_topk(%arg0: i32, %arg1: i32, %arg2: memref<64x8192xf32, #tpu.memory_space<hbm>>, %arg3: memref<64x16xi32, #tpu.memory_space<hbm>>, %arg4: memref<64x16xi32, #tpu.memory_space<hbm>>, %arg5: memref<64x16xf32, #tpu.memory_space<hbm>>, %arg6: memref<8192xf32, #tpu.memory_space<vmem>>, %arg7: memref<16xi32, #tpu.memory_space<vmem>>, %arg8: memref<16xi32, #tpu.memory_space<vmem>>, %arg9: memref<16xf32, #tpu.memory_space<vmem>>) attributes {dimension_semantics = [#tpu.dimension_semantics<core_parallel>, #tpu.dimension_semantics<subcore_parallel>], iteration_bounds = array<i64: 2, 16>, scalar_prefetch = 0 : i64, scratch_operands = 4 : i64, tpu.core_type = #tpu.core_type<sc_vector_subcore>, window_params = [{transform_indices = #map}, {transform_indices = #map}, {transform_indices = #map}, {transform_indices = #map}]} {
    %mul3A = arith.constant 2 : i32
    %mul3A_0 = arith.muli %arg1, %mul3A : i32
    %add3A = arith.addi %mul3A_0, %arg0 : i32
    %iota3A = tpu.iota {dimensions = array<i32: 0>} : vector<16xi32>
    %mul3A_1 = arith.constant 2 : i32
    %mul3A_2 = arith.muli %add3A, %mul3A_1 : i32
    %add3A_3 = arith.constant 0 : i32
    %add3A_4 = arith.addi %mul3A_2, %add3A_3 : i32
    "tpu.region"() ({
      %run_scoped3A = tpu.sem_alloc : memref<!tpu.dma_semaphore, #tpu.memory_space<semaphore_mem>>
      %dma_start3A = arith.constant 0 : i32
      %dma_start3A_81 = tpu.memref_slice %arg2[%add3A_4, %dma_start3A] : memref<64x8192xf32, #tpu.memory_space<hbm>> -> memref<1x8192xf32, #tpu.memory_space<hbm>>
      %dma_start3A_82 = tpu.memref_squeeze %dma_start3A_81 : memref<1x8192xf32, #tpu.memory_space<hbm>> -> memref<8192xf32, #tpu.memory_space<hbm>>
      %dma_start3A_83 = arith.constant 0 : i32
      %dma_start3A_84 = tpu.memref_slice %arg2[%add3A_4, %dma_start3A_83] : memref<64x8192xf32, #tpu.memory_space<hbm>> -> memref<1x8192xf32, #tpu.memory_space<hbm>>
      %dma_start3A_85 = tpu.memref_squeeze %dma_start3A_84 : memref<1x8192xf32, #tpu.memory_space<hbm>> -> memref<8192xf32, #tpu.memory_space<hbm>>
      tpu.enqueue_dma source(%dma_start3A_85 : memref<8192xf32, #tpu.memory_space<hbm>>) target(%arg6 : memref<8192xf32, #tpu.memory_space<vmem>>) target_semaphore(%run_scoped3A : memref<!tpu.dma_semaphore, #tpu.memory_space<semaphore_mem>>)
      %dma_wait3A = arith.constant 0 : i32
      %dma_wait3A_86 = tpu.memref_slice %arg2[%add3A_4, %dma_wait3A] : memref<64x8192xf32, #tpu.memory_space<hbm>> -> memref<1x8192xf32, #tpu.memory_space<hbm>>
      %dma_wait3A_87 = tpu.memref_squeeze %dma_wait3A_86 : memref<1x8192xf32, #tpu.memory_space<hbm>> -> memref<8192xf32, #tpu.memory_space<hbm>>
      %dma_wait3A_88 = arith.constant 0 : i32
      %dma_wait3A_89 = tpu.memref_slice %arg2[%add3A_4, %dma_wait3A_88] : memref<64x8192xf32, #tpu.memory_space<hbm>> -> memref<1x8192xf32, #tpu.memory_space<hbm>>
      %dma_wait3A_90 = tpu.memref_squeeze %dma_wait3A_89 : memref<1x8192xf32, #tpu.memory_space<hbm>> -> memref<8192xf32, #tpu.memory_space<hbm>>
      tpu.wait_dma2 semaphore(%run_scoped3A : memref<!tpu.dma_semaphore, #tpu.memory_space<semaphore_mem>>) src(%dma_wait3A_90 : memref<8192xf32, #tpu.memory_space<hbm>>) dst(%arg6 : memref<8192xf32, #tpu.memory_space<vmem>>)
      tpu.yield
    }) : () -> ()
    %get3A = arith.constant 0 : index
    %get3A_5 = tpu.vector_load %arg6[%get3A] {strides = array<i32>} : memref<8192xf32, #tpu.memory_space<vmem>>, vector<16xf32>,
    %masked_sort3A = arith.constant dense<true> : vector<16xi1>
    %masked_sort3A_6, %masked_sort3A_7, %masked_sort3A_8 = tpu.sort %get3A_5, %iota3A masked %masked_sort3A {descending = true} : (vector<16xf32>, vector<16xi32>, vector<16xi1>) -> (vector<16xi1>, vector<16xf32>, vector<16xi32>)
    %reduce_min3A = arith.constant true
    %reduce_min3A_9 = vector.broadcast %reduce_min3A : i1 to vector<16xi1>
    %reduce_min3A_10 = tpu.scan <min>, %masked_sort3A_7 masked %reduce_min3A_9 : vector<16xf32>, vector<16xi1> -> vector<16xf32>
    %reduce_min3A_11 = vector.extract %reduce_min3A_10[15] : f32 from vector<16xf32>
    %scan3A = arith.constant 1 : i32
    %scan3A_12 = arith.constant 511 : i32
    %scan3A_13 = arith.addi %scan3A, %scan3A_12 : i32
    %scan3A_14 = arith.constant 1 : i32
    %scan3A_15:3 = scf.for %scan3A_81 = %scan3A to %scan3A_13 step %scan3A_14 iter_args(%scan3A_82 = %masked_sort3A_7, %scan3A_83 = %masked_sort3A_8, %scan3A_84 = %reduce_min3A_11) -> (vector<16xf32>, vector<16xi32>, f32)  : i32 {
      %mul3A_85 = arith.constant 16 : i32
      %mul3A_86 = arith.muli %scan3A_81, %mul3A_85 : i32
      %get3A_87 = arith.index_cast %mul3A_86 : i32 to index
      %get3A_88 = tpu.vector_load %arg6[%get3A_87] {strides = array<i32>} : memref<8192xf32, #tpu.memory_space<vmem>>, vector<16xf32>,
      %gt3A = vector.broadcast %scan3A_84 : f32 to vector<16xf32>
      %gt3A_89 = arith.cmpf ogt, %get3A_88, %gt3A : vector<16xf32>
      %reduce_or3A = arith.constant 1.000000e+00 : f32
      %reduce_or3A_90 = arith.constant 0.000000e+00 : f32
      %reduce_or3A_91 = vector.broadcast %reduce_or3A : f32 to vector<16xf32>
      %reduce_or3A_92 = vector.broadcast %reduce_or3A_90 : f32 to vector<16xf32>
      %reduce_or3A_93 = arith.select %gt3A_89, %reduce_or3A_91, %reduce_or3A_92 : vector<16xi1>, vector<16xf32>
      %reduce_or3A_94 = arith.constant true
      %reduce_or3A_95 = vector.broadcast %reduce_or3A_94 : i1 to vector<16xi1>
      %reduce_or3A_96 = tpu.scan <max>, %reduce_or3A_93 masked %reduce_or3A_95 : vector<16xf32>, vector<16xi1> -> vector<16xf32>
      %reduce_or3A_97 = vector.extract %reduce_or3A_96[15] : f32 from vector<16xf32>
      %reduce_or3A_98 = arith.constant 0.000000e+00 : f32
      %reduce_or3A_99 = arith.cmpf ogt, %reduce_or3A_97, %reduce_or3A_98 : f32
      %convert_element_type3A = arith.extui %reduce_or3A_99 : i1 to i32
      %cond3A = arith.constant 0 : i32
      %cond3A_100 = arith.cmpi ne, %convert_element_type3A, %cond3A : i32
      %cond3A_101:3 = scf.if %cond3A_100 -> (vector<16xf32>, vector<16xi32>, f32) {
        %mul3A_102 = arith.constant 16 : i32
        %mul3A_103 = arith.muli %scan3A_81, %mul3A_102 : i32
        %get3A_104 = arith.index_cast %mul3A_103 : i32 to index
        %get3A_105 = tpu.vector_load %arg6[%get3A_104] {strides = array<i32>} : memref<8192xf32, #tpu.memory_space<vmem>>, vector<16xf32>,
        %mul3A_106 = arith.constant 16 : i32
        %mul3A_107 = arith.muli %scan3A_81, %mul3A_106 : i32
        %add3A_108 = vector.broadcast %mul3A_107 : i32 to vector<16xi32>
        %add3A_109 = arith.addi %iota3A, %add3A_108 : vector<16xi32>
        %masked_sort3A_110 = arith.constant dense<true> : vector<16xi1>
        %masked_sort3A_111, %masked_sort3A_112, %masked_sort3A_113 = tpu.sort %get3A_105, %add3A_109 masked %masked_sort3A_110 : (vector<16xf32>, vector<16xi32>, vector<16xi1>) -> (vector<16xi1>, vector<16xf32>, vector<16xi32>)
        %max3A = arith.maximumf %scan3A_82, %masked_sort3A_112 : vector<16xf32>
        %ge3A = arith.cmpf oge, %scan3A_82, %masked_sort3A_112 : vector<16xf32>
        %select_n3A = arith.select %ge3A, %scan3A_83, %masked_sort3A_113 : vector<16xi1>, vector<16xi32>
        %masked_sort3A_114 = arith.constant dense<true> : vector<16xi1>
        %masked_sort3A_115, %masked_sort3A_116, %masked_sort3A_117 = tpu.sort %max3A, %select_n3A masked %masked_sort3A_114 {descending = true} : (vector<16xf32>, vector<16xi32>, vector<16xi1>) -> (vector<16xi1>, vector<16xf32>, vector<16xi32>)
        %reduce_min3A_118 = arith.constant true
        %reduce_min3A_119 = vector.broadcast %reduce_min3A_118 : i1 to vector<16xi1>
        %reduce_min3A_120 = tpu.scan <min>, %masked_sort3A_116 masked %reduce_min3A_119 : vector<16xf32>, vector<16xi1> -> vector<16xf32>
        %reduce_min3A_121 = vector.extract %reduce_min3A_120[15] : f32 from vector<16xf32>
        scf.yield %masked_sort3A_116, %masked_sort3A_117, %reduce_min3A_121 : vector<16xf32>, vector<16xi32>, f32
      } else {
        scf.yield %scan3A_82, %scan3A_83, %scan3A_84 : vector<16xf32>, vector<16xi32>, f32
      }
      scf.yield %cond3A_101#0, %cond3A_101#1, %cond3A_101#2 : vector<16xf32>, vector<16xi32>, f32
    }
    %scan3A_16 = arith.constant 511 : i32
    %reduce_max3A = arith.constant true
    %reduce_max3A_17 = vector.broadcast %reduce_max3A : i1 to vector<16xi1>
    %reduce_max3A_18 = tpu.scan <max>, %scan3A_15#0 masked %reduce_max3A_17 : vector<16xf32>, vector<16xi1> -> vector<16xf32>
    %reduce_max3A_19 = vector.extract %reduce_max3A_18[15] : f32 from vector<16xf32>
    %sub3A = vector.broadcast %reduce_max3A_19 : f32 to vector<16xf32>
    %sub3A_20 = arith.subf %scan3A_15#0, %sub3A : vector<16xf32>
    %div3A = arith.constant 5.000000e+00 : f32
    %div3A_21 = vector.broadcast %div3A : f32 to vector<16xf32>
    %div3A_22 = arith.divf %sub3A_20, %div3A_21 : vector<16xf32>
    %exp3A = math.exp %div3A_22 : vector<16xf32>
    %reduce_sum3A = arith.constant true
    %reduce_sum3A_23 = vector.broadcast %reduce_sum3A : i1 to vector<16xi1>
    %reduce_sum3A_24 = tpu.scan <sum>, %exp3A masked %reduce_sum3A_23 : vector<16xf32>, vector<16xi1> -> vector<16xf32>
    %reduce_sum3A_25 = vector.extract %reduce_sum3A_24[15] : f32 from vector<16xf32>
    %div3A_26 = vector.broadcast %reduce_sum3A_25 : f32 to vector<16xf32>
    %div3A_27 = arith.divf %exp3A, %div3A_26 : vector<16xf32>
    %mul3A_28 = arith.constant 128 : i32
    %mul3A_29 = vector.broadcast %mul3A_28 : i32 to vector<16xi32>
    %mul3A_30 = arith.muli %scan3A_15#1, %mul3A_29 : vector<16xi32>
    %swap3A = arith.constant 0 : index
    %swap3A_31 = tpu.vector_load %arg7[%swap3A] {strides = array<i32>} : memref<16xi32, #tpu.memory_space<vmem>>, vector<16xi32>,
    tpu.vector_store %arg7[%swap3A], %mul3A_30 {strides = array<i32>} : memref<16xi32, #tpu.memory_space<vmem>>, vector<16xi32>,
    %swap3A_32 = arith.constant 0 : index
    %swap3A_33 = tpu.vector_load %arg8[%swap3A_32] {strides = array<i32>} : memref<16xi32, #tpu.memory_space<vmem>>, vector<16xi32>,
    tpu.vector_store %arg8[%swap3A_32], %scan3A_15#1 {strides = array<i32>} : memref<16xi32, #tpu.memory_space<vmem>>, vector<16xi32>,
    %swap3A_34 = arith.constant 0 : index
    %swap3A_35 = tpu.vector_load %arg9[%swap3A_34] {strides = array<i32>} : memref<16xf32, #tpu.memory_space<vmem>>, vector<16xf32>,
    tpu.vector_store %arg9[%swap3A_34], %div3A_27 {strides = array<i32>} : memref<16xf32, #tpu.memory_space<vmem>>, vector<16xf32>,
    "tpu.region"() ({
      %run_scoped3A = tpu.sem_alloc : memref<!tpu.dma_semaphore, #tpu.memory_space<semaphore_mem>>
      %dma_start3A = arith.constant 0 : i32
      %dma_start3A_81 = tpu.memref_slice %arg3[%add3A_4, %dma_start3A] : memref<64x16xi32, #tpu.memory_space<hbm>> -> memref<1x16xi32, #tpu.memory_space<hbm>>
      %dma_start3A_82 = tpu.memref_squeeze %dma_start3A_81 : memref<1x16xi32, #tpu.memory_space<hbm>> -> memref<16xi32, #tpu.memory_space<hbm>>
      %dma_start3A_83 = arith.constant 0 : i32
      %dma_start3A_84 = tpu.memref_slice %arg3[%add3A_4, %dma_start3A_83] : memref<64x16xi32, #tpu.memory_space<hbm>> -> memref<1x16xi32, #tpu.memory_space<hbm>>
      %dma_start3A_85 = tpu.memref_squeeze %dma_start3A_84 : memref<1x16xi32, #tpu.memory_space<hbm>> -> memref<16xi32, #tpu.memory_space<hbm>>
      tpu.enqueue_dma source(%arg7 : memref<16xi32, #tpu.memory_space<vmem>>) target(%dma_start3A_85 : memref<16xi32, #tpu.memory_space<hbm>>) target_semaphore(%run_scoped3A : memref<!tpu.dma_semaphore, #tpu.memory_space<semaphore_mem>>)
      %dma_wait3A = arith.constant 0 : i32
      %dma_wait3A_86 = tpu.memref_slice %arg3[%add3A_4, %dma_wait3A] : memref<64x16xi32, #tpu.memory_space<hbm>> -> memref<1x16xi32, #tpu.memory_space<hbm>>
      %dma_wait3A_87 = tpu.memref_squeeze %dma_wait3A_86 : memref<1x16xi32, #tpu.memory_space<hbm>> -> memref<16xi32, #tpu.memory_space<hbm>>
      %dma_wait3A_88 = arith.constant 0 : i32
      %dma_wait3A_89 = tpu.memref_slice %arg3[%add3A_4, %dma_wait3A_88] : memref<64x16xi32, #tpu.memory_space<hbm>> -> memref<1x16xi32, #tpu.memory_space<hbm>>
      %dma_wait3A_90 = tpu.memref_squeeze %dma_wait3A_89 : memref<1x16xi32, #tpu.memory_space<hbm>> -> memref<16xi32, #tpu.memory_space<hbm>>
      tpu.wait_dma2 semaphore(%run_scoped3A : memref<!tpu.dma_semaphore, #tpu.memory_space<semaphore_mem>>) src(%arg7 : memref<16xi32, #tpu.memory_space<vmem>>) dst(%dma_wait3A_90 : memref<16xi32, #tpu.memory_space<hbm>>)
      tpu.yield
    }) : () -> ()
    "tpu.region"() ({
      %run_scoped3A = tpu.sem_alloc : memref<!tpu.dma_semaphore, #tpu.memory_space<semaphore_mem>>
      %dma_start3A = arith.constant 0 : i32
      %dma_start3A_81 = tpu.memref_slice %arg4[%add3A_4, %dma_start3A] : memref<64x16xi32, #tpu.memory_space<hbm>> -> memref<1x16xi32, #tpu.memory_space<hbm>>
      %dma_start3A_82 = tpu.memref_squeeze %dma_start3A_81 : memref<1x16xi32, #tpu.memory_space<hbm>> -> memref<16xi32, #tpu.memory_space<hbm>>
      %dma_start3A_83 = arith.constant 0 : i32
      %dma_start3A_84 = tpu.memref_slice %arg4[%add3A_4, %dma_start3A_83] : memref<64x16xi32, #tpu.memory_space<hbm>> -> memref<1x16xi32, #tpu.memory_space<hbm>>
      %dma_start3A_85 = tpu.memref_squeeze %dma_start3A_84 : memref<1x16xi32, #tpu.memory_space<hbm>> -> memref<16xi32, #tpu.memory_space<hbm>>
      tpu.enqueue_dma source(%arg8 : memref<16xi32, #tpu.memory_space<vmem>>) target(%dma_start3A_85 : memref<16xi32, #tpu.memory_space<hbm>>) target_semaphore(%run_scoped3A : memref<!tpu.dma_semaphore, #tpu.memory_space<semaphore_mem>>)
      %dma_wait3A = arith.constant 0 : i32
      %dma_wait3A_86 = tpu.memref_slice %arg4[%add3A_4, %dma_wait3A] : memref<64x16xi32, #tpu.memory_space<hbm>> -> memref<1x16xi32, #tpu.memory_space<hbm>>
      %dma_wait3A_87 = tpu.memref_squeeze %dma_wait3A_86 : memref<1x16xi32, #tpu.memory_space<hbm>> -> memref<16xi32, #tpu.memory_space<hbm>>
      %dma_wait3A_88 = arith.constant 0 : i32
      %dma_wait3A_89 = tpu.memref_slice %arg4[%add3A_4, %dma_wait3A_88] : memref<64x16xi32, #tpu.memory_space<hbm>> -> memref<1x16xi32, #tpu.memory_space<hbm>>
      %dma_wait3A_90 = tpu.memref_squeeze %dma_wait3A_89 : memref<1x16xi32, #tpu.memory_space<hbm>> -> memref<16xi32, #tpu.memory_space<hbm>>
      tpu.wait_dma2 semaphore(%run_scoped3A : memref<!tpu.dma_semaphore, #tpu.memory_space<semaphore_mem>>) src(%arg8 : memref<16xi32, #tpu.memory_space<vmem>>) dst(%dma_wait3A_90 : memref<16xi32, #tpu.memory_space<hbm>>)
      tpu.yield
    }) : () -> ()
    "tpu.region"() ({
      %run_scoped3A = tpu.sem_alloc : memref<!tpu.dma_semaphore, #tpu.memory_space<semaphore_mem>>
      %dma_start3A = arith.constant 0 : i32
      %dma_start3A_81 = tpu.memref_slice %arg5[%add3A_4, %dma_start3A] : memref<64x16xf32, #tpu.memory_space<hbm>> -> memref<1x16xf32, #tpu.memory_space<hbm>>
      %dma_start3A_82 = tpu.memref_squeeze %dma_start3A_81 : memref<1x16xf32, #tpu.memory_space<hbm>> -> memref<16xf32, #tpu.memory_space<hbm>>
      %dma_start3A_83 = arith.constant 0 : i32
      %dma_start3A_84 = tpu.memref_slice %arg5[%add3A_4, %dma_start3A_83] : memref<64x16xf32, #tpu.memory_space<hbm>> -> memref<1x16xf32, #tpu.memory_space<hbm>>
      %dma_start3A_85 = tpu.memref_squeeze %dma_start3A_84 : memref<1x16xf32, #tpu.memory_space<hbm>> -> memref<16xf32, #tpu.memory_space<hbm>>
      tpu.enqueue_dma source(%arg9 : memref<16xf32, #tpu.memory_space<vmem>>) target(%dma_start3A_85 : memref<16xf32, #tpu.memory_space<hbm>>) target_semaphore(%run_scoped3A : memref<!tpu.dma_semaphore, #tpu.memory_space<semaphore_mem>>)
      %dma_wait3A = arith.constant 0 : i32
      %dma_wait3A_86 = tpu.memref_slice %arg5[%add3A_4, %dma_wait3A] : memref<64x16xf32, #tpu.memory_space<hbm>> -> memref<1x16xf32, #tpu.memory_space<hbm>>
      %dma_wait3A_87 = tpu.memref_squeeze %dma_wait3A_86 : memref<1x16xf32, #tpu.memory_space<hbm>> -> memref<16xf32, #tpu.memory_space<hbm>>
      %dma_wait3A_88 = arith.constant 0 : i32
      %dma_wait3A_89 = tpu.memref_slice %arg5[%add3A_4, %dma_wait3A_88] : memref<64x16xf32, #tpu.memory_space<hbm>> -> memref<1x16xf32, #tpu.memory_space<hbm>>
      %dma_wait3A_90 = tpu.memref_squeeze %dma_wait3A_89 : memref<1x16xf32, #tpu.memory_space<hbm>> -> memref<16xf32, #tpu.memory_space<hbm>>
      tpu.wait_dma2 semaphore(%run_scoped3A : memref<!tpu.dma_semaphore, #tpu.memory_space<semaphore_mem>>) src(%arg9 : memref<16xf32, #tpu.memory_space<vmem>>) dst(%dma_wait3A_90 : memref<16xf32, #tpu.memory_space<hbm>>)
      tpu.yield
    }) : () -> ()
    %mul3A_36 = arith.constant 2 : i32
    %mul3A_37 = arith.muli %add3A, %mul3A_36 : i32
    %add3A_38 = arith.constant 1 : i32
    %add3A_39 = arith.addi %mul3A_37, %add3A_38 : i32
    "tpu.region"() ({
      %run_scoped3A = tpu.sem_alloc : memref<!tpu.dma_semaphore, #tpu.memory_space<semaphore_mem>>
      %dma_start3A = arith.constant 0 : i32
      %dma_start3A_81 = tpu.memref_slice %arg2[%add3A_39, %dma_start3A] : memref<64x8192xf32, #tpu.memory_space<hbm>> -> memref<1x8192xf32, #tpu.memory_space<hbm>>
      %dma_start3A_82 = tpu.memref_squeeze %dma_start3A_81 : memref<1x8192xf32, #tpu.memory_space<hbm>> -> memref<8192xf32, #tpu.memory_space<hbm>>
      %dma_start3A_83 = arith.constant 0 : i32
      %dma_start3A_84 = tpu.memref_slice %arg2[%add3A_39, %dma_start3A_83] : memref<64x8192xf32, #tpu.memory_space<hbm>> -> memref<1x8192xf32, #tpu.memory_space<hbm>>
      %dma_start3A_85 = tpu.memref_squeeze %dma_start3A_84 : memref<1x8192xf32, #tpu.memory_space<hbm>> -> memref<8192xf32, #tpu.memory_space<hbm>>
      tpu.enqueue_dma source(%dma_start3A_85 : memref<8192xf32, #tpu.memory_space<hbm>>) target(%arg6 : memref<8192xf32, #tpu.memory_space<vmem>>) target_semaphore(%run_scoped3A : memref<!tpu.dma_semaphore, #tpu.memory_space<semaphore_mem>>)
      %dma_wait3A = arith.constant 0 : i32
      %dma_wait3A_86 = tpu.memref_slice %arg2[%add3A_39, %dma_wait3A] : memref<64x8192xf32, #tpu.memory_space<hbm>> -> memref<1x8192xf32, #tpu.memory_space<hbm>>
      %dma_wait3A_87 = tpu.memref_squeeze %dma_wait3A_86 : memref<1x8192xf32, #tpu.memory_space<hbm>> -> memref<8192xf32, #tpu.memory_space<hbm>>
      %dma_wait3A_88 = arith.constant 0 : i32
      %dma_wait3A_89 = tpu.memref_slice %arg2[%add3A_39, %dma_wait3A_88] : memref<64x8192xf32, #tpu.memory_space<hbm>> -> memref<1x8192xf32, #tpu.memory_space<hbm>>
      %dma_wait3A_90 = tpu.memref_squeeze %dma_wait3A_89 : memref<1x8192xf32, #tpu.memory_space<hbm>> -> memref<8192xf32, #tpu.memory_space<hbm>>
      tpu.wait_dma2 semaphore(%run_scoped3A : memref<!tpu.dma_semaphore, #tpu.memory_space<semaphore_mem>>) src(%dma_wait3A_90 : memref<8192xf32, #tpu.memory_space<hbm>>) dst(%arg6 : memref<8192xf32, #tpu.memory_space<vmem>>)
      tpu.yield
    }) : () -> ()
    %get3A_40 = arith.constant 0 : index
    %get3A_41 = tpu.vector_load %arg6[%get3A_40] {strides = array<i32>} : memref<8192xf32, #tpu.memory_space<vmem>>, vector<16xf32>,
    %masked_sort3A_42 = arith.constant dense<true> : vector<16xi1>
    %masked_sort3A_43, %masked_sort3A_44, %masked_sort3A_45 = tpu.sort %get3A_41, %iota3A masked %masked_sort3A_42 {descending = true} : (vector<16xf32>, vector<16xi32>, vector<16xi1>) -> (vector<16xi1>, vector<16xf32>, vector<16xi32>)
    %reduce_min3A_46 = arith.constant true
    %reduce_min3A_47 = vector.broadcast %reduce_min3A_46 : i1 to vector<16xi1>
    %reduce_min3A_48 = tpu.scan <min>, %masked_sort3A_44 masked %reduce_min3A_47 : vector<16xf32>, vector<16xi1> -> vector<16xf32>
    %reduce_min3A_49 = vector.extract %reduce_min3A_48[15] : f32 from vector<16xf32>
    %scan3A_50 = arith.constant 1 : i32
    %scan3A_51 = arith.constant 511 : i32
    %scan3A_52 = arith.addi %scan3A_50, %scan3A_51 : i32
    %scan3A_53 = arith.constant 1 : i32
    %scan3A_54:3 = scf.for %scan3A_81 = %scan3A_50 to %scan3A_52 step %scan3A_53 iter_args(%scan3A_82 = %masked_sort3A_44, %scan3A_83 = %masked_sort3A_45, %scan3A_84 = %reduce_min3A_49) -> (vector<16xf32>, vector<16xi32>, f32)  : i32 {
      %mul3A_85 = arith.constant 16 : i32
      %mul3A_86 = arith.muli %scan3A_81, %mul3A_85 : i32
      %get3A_87 = arith.index_cast %mul3A_86 : i32 to index
      %get3A_88 = tpu.vector_load %arg6[%get3A_87] {strides = array<i32>} : memref<8192xf32, #tpu.memory_space<vmem>>, vector<16xf32>,
      %gt3A = vector.broadcast %scan3A_84 : f32 to vector<16xf32>
      %gt3A_89 = arith.cmpf ogt, %get3A_88, %gt3A : vector<16xf32>
      %reduce_or3A = arith.constant 1.000000e+00 : f32
      %reduce_or3A_90 = arith.constant 0.000000e+00 : f32
      %reduce_or3A_91 = vector.broadcast %reduce_or3A : f32 to vector<16xf32>
      %reduce_or3A_92 = vector.broadcast %reduce_or3A_90 : f32 to vector<16xf32>
      %reduce_or3A_93 = arith.select %gt3A_89, %reduce_or3A_91, %reduce_or3A_92 : vector<16xi1>, vector<16xf32>
      %reduce_or3A_94 = arith.constant true
      %reduce_or3A_95 = vector.broadcast %reduce_or3A_94 : i1 to vector<16xi1>
      %reduce_or3A_96 = tpu.scan <max>, %reduce_or3A_93 masked %reduce_or3A_95 : vector<16xf32>, vector<16xi1> -> vector<16xf32>
      %reduce_or3A_97 = vector.extract %reduce_or3A_96[15] : f32 from vector<16xf32>
      %reduce_or3A_98 = arith.constant 0.000000e+00 : f32
      %reduce_or3A_99 = arith.cmpf ogt, %reduce_or3A_97, %reduce_or3A_98 : f32
      %convert_element_type3A = arith.extui %reduce_or3A_99 : i1 to i32
      %cond3A = arith.constant 0 : i32
      %cond3A_100 = arith.cmpi ne, %convert_element_type3A, %cond3A : i32
      %cond3A_101:3 = scf.if %cond3A_100 -> (vector<16xf32>, vector<16xi32>, f32) {
        %mul3A_102 = arith.constant 16 : i32
        %mul3A_103 = arith.muli %scan3A_81, %mul3A_102 : i32
        %get3A_104 = arith.index_cast %mul3A_103 : i32 to index
        %get3A_105 = tpu.vector_load %arg6[%get3A_104] {strides = array<i32>} : memref<8192xf32, #tpu.memory_space<vmem>>, vector<16xf32>,
        %mul3A_106 = arith.constant 16 : i32
        %mul3A_107 = arith.muli %scan3A_81, %mul3A_106 : i32
        %add3A_108 = vector.broadcast %mul3A_107 : i32 to vector<16xi32>
        %add3A_109 = arith.addi %iota3A, %add3A_108 : vector<16xi32>
        %masked_sort3A_110 = arith.constant dense<true> : vector<16xi1>
        %masked_sort3A_111, %masked_sort3A_112, %masked_sort3A_113 = tpu.sort %get3A_105, %add3A_109 masked %masked_sort3A_110 : (vector<16xf32>, vector<16xi32>, vector<16xi1>) -> (vector<16xi1>, vector<16xf32>, vector<16xi32>)
        %max3A = arith.maximumf %scan3A_82, %masked_sort3A_112 : vector<16xf32>
        %ge3A = arith.cmpf oge, %scan3A_82, %masked_sort3A_112 : vector<16xf32>
        %select_n3A = arith.select %ge3A, %scan3A_83, %masked_sort3A_113 : vector<16xi1>, vector<16xi32>
        %masked_sort3A_114 = arith.constant dense<true> : vector<16xi1>
        %masked_sort3A_115, %masked_sort3A_116, %masked_sort3A_117 = tpu.sort %max3A, %select_n3A masked %masked_sort3A_114 {descending = true} : (vector<16xf32>, vector<16xi32>, vector<16xi1>) -> (vector<16xi1>, vector<16xf32>, vector<16xi32>)
        %reduce_min3A_118 = arith.constant true
        %reduce_min3A_119 = vector.broadcast %reduce_min3A_118 : i1 to vector<16xi1>
        %reduce_min3A_120 = tpu.scan <min>, %masked_sort3A_116 masked %reduce_min3A_119 : vector<16xf32>, vector<16xi1> -> vector<16xf32>
        %reduce_min3A_121 = vector.extract %reduce_min3A_120[15] : f32 from vector<16xf32>
        scf.yield %masked_sort3A_116, %masked_sort3A_117, %reduce_min3A_121 : vector<16xf32>, vector<16xi32>, f32
      } else {
        scf.yield %scan3A_82, %scan3A_83, %scan3A_84 : vector<16xf32>, vector<16xi32>, f32
      }
      scf.yield %cond3A_101#0, %cond3A_101#1, %cond3A_101#2 : vector<16xf32>, vector<16xi32>, f32
    }
    %scan3A_55 = arith.constant 511 : i32
    %reduce_max3A_56 = arith.constant true
    %reduce_max3A_57 = vector.broadcast %reduce_max3A_56 : i1 to vector<16xi1>
    %reduce_max3A_58 = tpu.scan <max>, %scan3A_54#0 masked %reduce_max3A_57 : vector<16xf32>, vector<16xi1> -> vector<16xf32>
    %reduce_max3A_59 = vector.extract %reduce_max3A_58[15] : f32 from vector<16xf32>
    %sub3A_60 = vector.broadcast %reduce_max3A_59 : f32 to vector<16xf32>
    %sub3A_61 = arith.subf %scan3A_54#0, %sub3A_60 : vector<16xf32>
    %div3A_62 = arith.constant 5.000000e+00 : f32
    %div3A_63 = vector.broadcast %div3A_62 : f32 to vector<16xf32>
    %div3A_64 = arith.divf %sub3A_61, %div3A_63 : vector<16xf32>
    %exp3A_65 = math.exp %div3A_64 : vector<16xf32>
    %reduce_sum3A_66 = arith.constant true
    %reduce_sum3A_67 = vector.broadcast %reduce_sum3A_66 : i1 to vector<16xi1>
    %reduce_sum3A_68 = tpu.scan <sum>, %exp3A_65 masked %reduce_sum3A_67 : vector<16xf32>, vector<16xi1> -> vector<16xf32>
    %reduce_sum3A_69 = vector.extract %reduce_sum3A_68[15] : f32 from vector<16xf32>
    %div3A_70 = vector.broadcast %reduce_sum3A_69 : f32 to vector<16xf32>
    %div3A_71 = arith.divf %exp3A_65, %div3A_70 : vector<16xf32>
    %mul3A_72 = arith.constant 128 : i32
    %mul3A_73 = vector.broadcast %mul3A_72 : i32 to vector<16xi32>
    %mul3A_74 = arith.muli %scan3A_54#1, %mul3A_73 : vector<16xi32>
    %swap3A_75 = arith.constant 0 : index
    %swap3A_76 = tpu.vector_load %arg7[%swap3A_75] {strides = array<i32>} : memref<16xi32, #tpu.memory_space<vmem>>, vector<16xi32>,
    tpu.vector_store %arg7[%swap3A_75], %mul3A_74 {strides = array<i32>} : memref<16xi32, #tpu.memory_space<vmem>>, vector<16xi32>,
    %swap3A_77 = arith.constant 0 : index
    %swap3A_78 = tpu.vector_load %arg8[%swap3A_77] {strides = array<i32>} : memref<16xi32, #tpu.memory_space<vmem>>, vector<16xi32>,
    tpu.vector_store %arg8[%swap3A_77], %scan3A_54#1 {strides = array<i32>} : memref<16xi32, #tpu.memory_space<vmem>>, vector<16xi32>,
    %swap3A_79 = arith.constant 0 : index
    %swap3A_80 = tpu.vector_load %arg9[%swap3A_79] {strides = array<i32>} : memref<16xf32, #tpu.memory_space<vmem>>, vector<16xf32>,
    tpu.vector_store %arg9[%swap3A_79], %div3A_71 {strides = array<i32>} : memref<16xf32, #tpu.memory_space<vmem>>, vector<16xf32>,
    "tpu.region"() ({
      %run_scoped3A = tpu.sem_alloc : memref<!tpu.dma_semaphore, #tpu.memory_space<semaphore_mem>>
      %dma_start3A = arith.constant 0 : i32
      %dma_start3A_81 = tpu.memref_slice %arg3[%add3A_39, %dma_start3A] : memref<64x16xi32, #tpu.memory_space<hbm>> -> memref<1x16xi32, #tpu.memory_space<hbm>>
      %dma_start3A_82 = tpu.memref_squeeze %dma_start3A_81 : memref<1x16xi32, #tpu.memory_space<hbm>> -> memref<16xi32, #tpu.memory_space<hbm>>
      %dma_start3A_83 = arith.constant 0 : i32
      %dma_start3A_84 = tpu.memref_slice %arg3[%add3A_39, %dma_start3A_83] : memref<64x16xi32, #tpu.memory_space<hbm>> -> memref<1x16xi32, #tpu.memory_space<hbm>>
      %dma_start3A_85 = tpu.memref_squeeze %dma_start3A_84 : memref<1x16xi32, #tpu.memory_space<hbm>> -> memref<16xi32, #tpu.memory_space<hbm>>
      tpu.enqueue_dma source(%arg7 : memref<16xi32, #tpu.memory_space<vmem>>) target(%dma_start3A_85 : memref<16xi32, #tpu.memory_space<hbm>>) target_semaphore(%run_scoped3A : memref<!tpu.dma_semaphore, #tpu.memory_space<semaphore_mem>>)
      %dma_wait3A = arith.constant 0 : i32
      %dma_wait3A_86 = tpu.memref_slice %arg3[%add3A_39, %dma_wait3A] : memref<64x16xi32, #tpu.memory_space<hbm>> -> memref<1x16xi32, #tpu.memory_space<hbm>>
      %dma_wait3A_87 = tpu.memref_squeeze %dma_wait3A_86 : memref<1x16xi32, #tpu.memory_space<hbm>> -> memref<16xi32, #tpu.memory_space<hbm>>
      %dma_wait3A_88 = arith.constant 0 : i32
      %dma_wait3A_89 = tpu.memref_slice %arg3[%add3A_39, %dma_wait3A_88] : memref<64x16xi32, #tpu.memory_space<hbm>> -> memref<1x16xi32, #tpu.memory_space<hbm>>
      %dma_wait3A_90 = tpu.memref_squeeze %dma_wait3A_89 : memref<1x16xi32, #tpu.memory_space<hbm>> -> memref<16xi32, #tpu.memory_space<hbm>>
      tpu.wait_dma2 semaphore(%run_scoped3A : memref<!tpu.dma_semaphore, #tpu.memory_space<semaphore_mem>>) src(%arg7 : memref<16xi32, #tpu.memory_space<vmem>>) dst(%dma_wait3A_90 : memref<16xi32, #tpu.memory_space<hbm>>)
      tpu.yield
    }) : () -> ()
    "tpu.region"() ({
      %run_scoped3A = tpu.sem_alloc : memref<!tpu.dma_semaphore, #tpu.memory_space<semaphore_mem>>
      %dma_start3A = arith.constant 0 : i32
      %dma_start3A_81 = tpu.memref_slice %arg4[%add3A_39, %dma_start3A] : memref<64x16xi32, #tpu.memory_space<hbm>> -> memref<1x16xi32, #tpu.memory_space<hbm>>
      %dma_start3A_82 = tpu.memref_squeeze %dma_start3A_81 : memref<1x16xi32, #tpu.memory_space<hbm>> -> memref<16xi32, #tpu.memory_space<hbm>>
      %dma_start3A_83 = arith.constant 0 : i32
      %dma_start3A_84 = tpu.memref_slice %arg4[%add3A_39, %dma_start3A_83] : memref<64x16xi32, #tpu.memory_space<hbm>> -> memref<1x16xi32, #tpu.memory_space<hbm>>
      %dma_start3A_85 = tpu.memref_squeeze %dma_start3A_84 : memref<1x16xi32, #tpu.memory_space<hbm>> -> memref<16xi32, #tpu.memory_space<hbm>>
      tpu.enqueue_dma source(%arg8 : memref<16xi32, #tpu.memory_space<vmem>>) target(%dma_start3A_85 : memref<16xi32, #tpu.memory_space<hbm>>) target_semaphore(%run_scoped3A : memref<!tpu.dma_semaphore, #tpu.memory_space<semaphore_mem>>)
      %dma_wait3A = arith.constant 0 : i32
      %dma_wait3A_86 = tpu.memref_slice %arg4[%add3A_39, %dma_wait3A] : memref<64x16xi32, #tpu.memory_space<hbm>> -> memref<1x16xi32, #tpu.memory_space<hbm>>
      %dma_wait3A_87 = tpu.memref_squeeze %dma_wait3A_86 : memref<1x16xi32, #tpu.memory_space<hbm>> -> memref<16xi32, #tpu.memory_space<hbm>>
      %dma_wait3A_88 = arith.constant 0 : i32
      %dma_wait3A_89 = tpu.memref_slice %arg4[%add3A_39, %dma_wait3A_88] : memref<64x16xi32, #tpu.memory_space<hbm>> -> memref<1x16xi32, #tpu.memory_space<hbm>>
      %dma_wait3A_90 = tpu.memref_squeeze %dma_wait3A_89 : memref<1x16xi32, #tpu.memory_space<hbm>> -> memref<16xi32, #tpu.memory_space<hbm>>
      tpu.wait_dma2 semaphore(%run_scoped3A : memref<!tpu.dma_semaphore, #tpu.memory_space<semaphore_mem>>) src(%arg8 : memref<16xi32, #tpu.memory_space<vmem>>) dst(%dma_wait3A_90 : memref<16xi32, #tpu.memory_space<hbm>>)
      tpu.yield
    }) : () -> ()
    "tpu.region"() ({
      %run_scoped3A = tpu.sem_alloc : memref<!tpu.dma_semaphore, #tpu.memory_space<semaphore_mem>>
      %dma_start3A = arith.constant 0 : i32
      %dma_start3A_81 = tpu.memref_slice %arg5[%add3A_39, %dma_start3A] : memref<64x16xf32, #tpu.memory_space<hbm>> -> memref<1x16xf32, #tpu.memory_space<hbm>>
      %dma_start3A_82 = tpu.memref_squeeze %dma_start3A_81 : memref<1x16xf32, #tpu.memory_space<hbm>> -> memref<16xf32, #tpu.memory_space<hbm>>
      %dma_start3A_83 = arith.constant 0 : i32
      %dma_start3A_84 = tpu.memref_slice %arg5[%add3A_39, %dma_start3A_83] : memref<64x16xf32, #tpu.memory_space<hbm>> -> memref<1x16xf32, #tpu.memory_space<hbm>>
      %dma_start3A_85 = tpu.memref_squeeze %dma_start3A_84 : memref<1x16xf32, #tpu.memory_space<hbm>> -> memref<16xf32, #tpu.memory_space<hbm>>
      tpu.enqueue_dma source(%arg9 : memref<16xf32, #tpu.memory_space<vmem>>) target(%dma_start3A_85 : memref<16xf32, #tpu.memory_space<hbm>>) target_semaphore(%run_scoped3A : memref<!tpu.dma_semaphore, #tpu.memory_space<semaphore_mem>>)
      %dma_wait3A = arith.constant 0 : i32
      %dma_wait3A_86 = tpu.memref_slice %arg5[%add3A_39, %dma_wait3A] : memref<64x16xf32, #tpu.memory_space<hbm>> -> memref<1x16xf32, #tpu.memory_space<hbm>>
      %dma_wait3A_87 = tpu.memref_squeeze %dma_wait3A_86 : memref<1x16xf32, #tpu.memory_space<hbm>> -> memref<16xf32, #tpu.memory_space<hbm>>
      %dma_wait3A_88 = arith.constant 0 : i32
      %dma_wait3A_89 = tpu.memref_slice %arg5[%add3A_39, %dma_wait3A_88] : memref<64x16xf32, #tpu.memory_space<hbm>> -> memref<1x16xf32, #tpu.memory_space<hbm>>
      %dma_wait3A_90 = tpu.memref_squeeze %dma_wait3A_89 : memref<1x16xf32, #tpu.memory_space<hbm>> -> memref<16xf32, #tpu.memory_space<hbm>>
      tpu.wait_dma2 semaphore(%run_scoped3A : memref<!tpu.dma_semaphore, #tpu.memory_space<semaphore_mem>>) src(%arg9 : memref<16xf32, #tpu.memory_space<vmem>>) dst(%dma_wait3A_90 : memref<16xf32, #tpu.memory_space<hbm>>)
      tpu.yield
    }) : () -> ()
    return
  }
}

module attributes {stable_mosaic.version = 14 : i64} {
  func.func @_tc_body(%arg0: i32, %arg1: memref<64x256x128xf32, #tpu.memory_space<vmem>>, %arg2: memref<64x128xf32, #tpu.memory_space<vmem>>, %arg3: memref<128x128xf32, #tpu.memory_space<vmem>>, %arg4: memref<1x128xf32, #tpu.memory_space<vmem>>, %arg5: memref<128x128xf32, #tpu.memory_space<vmem>>, %arg6: memref<1x128xf32, #tpu.memory_space<vmem>>, %arg7: memref<64x256xf32, #tpu.memory_space<vmem>>) attributes {dimension_semantics = [#tpu.dimension_semantics<arbitrary>], iteration_bounds = array<i64: 32>, scalar_prefetch = 0 : i64, scratch_operands = 0 : i64, tpu.core_type = #tpu.core_type<tc>, window_params = [{transform_indices = @transform_0, window_bounds = array<i64: 64, 256, 128>}, {pipeline_mode = #tpu.pipeline_mode<synchronous>, transform_indices = @transform_1, window_bounds = array<i64: 64, 128>}, {pipeline_mode = #tpu.pipeline_mode<synchronous>, transform_indices = @transform_2, window_bounds = array<i64: 128, 128>}, {pipeline_mode = #tpu.pipeline_mode<synchronous>, transform_indices = @transform_3, window_bounds = array<i64: 1, 128>}, {pipeline_mode = #tpu.pipeline_mode<synchronous>, transform_indices = @transform_4, window_bounds = array<i64: 128, 128>}, {pipeline_mode = #tpu.pipeline_mode<synchronous>, transform_indices = @transform_5, window_bounds = array<i64: 1, 128>}, {transform_indices = @transform_6, window_bounds = array<i64: 64, 256>}]} {
    %get3A = arith.constant 0 : index
    %get3A_0 = arith.constant 0 : index
    %get3A_1 = vector.load %arg2[%get3A, %get3A_0] : memref<64x128xf32, #tpu.memory_space<vmem>>, vector<64x128xf32>
    %get3A_2 = arith.constant 0 : index
    %get3A_3 = arith.constant 0 : index
    %get3A_4 = vector.load %arg3[%get3A_2, %get3A_3] : memref<128x128xf32, #tpu.memory_space<vmem>>, vector<128x128xf32>
    %dot_general3A = arith.constant dense<0.000000e+00> : vector<64x128xf32>
    %dot_general3A_5 = tpu.matmul %get3A_1, %get3A_4, %dot_general3A {dimension_numbers = #tpu.dot_dimension_numbers<[1], [1], [0], [0], [0, 0, 1, 0], [], []>, transpose_lhs_hint = false} : vector<64x128xf32>, vector<128x128xf32>, vector<64x128xf32> -> vector<64x128xf32>
    %get3A_6 = arith.constant 0 : index
    %get3A_7 = arith.constant 0 : index
    %get3A_8 = vector.load %arg4[%get3A_6, %get3A_7] : memref<1x128xf32, #tpu.memory_space<vmem>>, vector<1x128xf32>
    %add3A = vector.broadcast %get3A_8 : vector<1x128xf32> to vector<64x128xf32>
    %add3A_9 = arith.addf %dot_general3A_5, %add3A : vector<64x128xf32>
    %get3A_10 = arith.constant 0 : index
    %get3A_11 = arith.constant 0 : index
    %get3A_12 = arith.constant 0 : index
    %get3A_13 = vector.load %arg1[%get3A_10, %get3A_11, %get3A_12] : memref<64x256x128xf32, #tpu.memory_space<vmem>>, vector<64x256x128xf32>
    %reshape3A = vector.shape_cast %get3A_13 : vector<64x256x128xf32> to vector<16384x128xf32>
    %get3A_14 = arith.constant 0 : index
    %get3A_15 = arith.constant 0 : index
    %get3A_16 = vector.load %arg5[%get3A_14, %get3A_15] : memref<128x128xf32, #tpu.memory_space<vmem>>, vector<128x128xf32>
    %dot_general3A_17 = arith.constant dense<0.000000e+00> : vector<16384x128xf32>
    %dot_general3A_18 = tpu.matmul %reshape3A, %get3A_16, %dot_general3A_17 {dimension_numbers = #tpu.dot_dimension_numbers<[1], [1], [0], [0], [0, 0, 1, 0], [], []>, transpose_lhs_hint = false} : vector<16384x128xf32>, vector<128x128xf32>, vector<16384x128xf32> -> vector<16384x128xf32>
    %get3A_19 = arith.constant 0 : index
    %get3A_20 = arith.constant 0 : index
    %get3A_21 = vector.load %arg6[%get3A_19, %get3A_20] : memref<1x128xf32, #tpu.memory_space<vmem>>, vector<1x128xf32>
    %add3A_22 = vector.broadcast %get3A_21 : vector<1x128xf32> to vector<16384x128xf32>
    %add3A_23 = arith.addf %dot_general3A_18, %add3A_22 : vector<16384x128xf32>
    %dot_general3A_24 = arith.constant dense<0.000000e+00> : vector<16384x64xf32>
    %dot_general3A_25 = tpu.matmul %add3A_23, %add3A_9, %dot_general3A_24 {dimension_numbers = #tpu.dot_dimension_numbers<[1], [1], [0], [0], [0, 0, 1, 0], [], []>, transpose_lhs_hint = false} : vector<16384x128xf32>, vector<64x128xf32>, vector<16384x64xf32> -> vector<16384x64xf32>
    %reshape3A_26 = vector.shape_cast %dot_general3A_25 : vector<16384x64xf32> to vector<64x256x64xf32>
    %iota3A = tpu.iota {dimensions = array<i32: 0>} : vector<64x256x64xi32>
    %iota3A_27 = tpu.iota {dimensions = array<i32: 2>} : vector<64x256x64xi32>
    %eq3A = arith.cmpi eq, %iota3A, %iota3A_27 : vector<64x256x64xi32>
    %jit3A = arith.constant 0.000000e+00 : f32
    %broadcast_in_dim3A = vector.broadcast %jit3A : f32 to vector<64x256x64xf32>
    %select_n3A = arith.select %eq3A, %reshape3A_26, %broadcast_in_dim3A : vector<64x256x64xi1>, vector<64x256x64xf32>
    %reduce_sum3A = arith.constant dense<0.000000e+00> : vector<64x256xf32>
    %reduce_sum3A_28 = vector.multi_reduction <add>, %select_n3A, %reduce_sum3A [2] : vector<64x256x64xf32> to vector<64x256xf32>
    %div3A = arith.constant 11.3137083 : f32
    %div3A_29 = vector.broadcast %div3A : f32 to vector<64x256xf32>
    %div3A_30 = arith.divf %reduce_sum3A_28, %div3A_29 : vector<64x256xf32>
    %swap3A = arith.constant 0 : index
    %swap3A_31 = arith.constant 0 : index
    %swap3A_32 = vector.load %arg7[%swap3A, %swap3A_31] : memref<64x256xf32, #tpu.memory_space<vmem>>, vector<64x256xf32>
    tpu.vector_store %arg7[%swap3A, %swap3A_31], %div3A_30 {strides = array<i32>} : memref<64x256xf32, #tpu.memory_space<vmem>>, vector<64x256xf32>,
    return
  }
  func.func @transform_0(%arg0: i32) -> (i32, i32, i32) {
    %c0_i32 = arith.constant 0 : i32
    %c0_i32_0 = arith.constant 0 : i32
    %c0_i32_1 = arith.constant 0 : i32
    return %c0_i32, %arg0, %c0_i32_0 : i32, i32, i32
  }
  func.func @transform_1(%arg0: i32) -> (i32, i32) {
    %c0_i32 = arith.constant 0 : i32
    %c0_i32_0 = arith.constant 0 : i32
    %c0_i32_1 = arith.constant 0 : i32
    return %c0_i32, %c0_i32_0 : i32, i32
  }
  func.func @transform_2(%arg0: i32) -> (i32, i32) {
    %c0_i32 = arith.constant 0 : i32
    %c0_i32_0 = arith.constant 0 : i32
    %c0_i32_1 = arith.constant 0 : i32
    return %c0_i32, %c0_i32_0 : i32, i32
  }
  func.func @transform_3(%arg0: i32) -> (i32, i32) {
    %c0_i32 = arith.constant 0 : i32
    %c0_i32_0 = arith.constant 0 : i32
    %c0_i32_1 = arith.constant 0 : i32
    return %c0_i32, %c0_i32_0 : i32, i32
  }
  func.func @transform_4(%arg0: i32) -> (i32, i32) {
    %c0_i32 = arith.constant 0 : i32
    %c0_i32_0 = arith.constant 0 : i32
    %c0_i32_1 = arith.constant 0 : i32
    return %c0_i32, %c0_i32_0 : i32, i32
  }
  func.func @transform_5(%arg0: i32) -> (i32, i32) {
    %c0_i32 = arith.constant 0 : i32
    %c0_i32_0 = arith.constant 0 : i32
    %c0_i32_1 = arith.constant 0 : i32
    return %c0_i32, %c0_i32_0 : i32, i32
  }
  func.func @transform_6(%arg0: i32) -> (i32, i32) {
    %c0_i32 = arith.constant 0 : i32
    %c0_i32_0 = arith.constant 0 : i32
    return %c0_i32, %arg0 : i32, i32
  }
}

</mosaic_0001>

<sc_bundles>
// kernel: kernel.4.cloned.1.call-start
scs
__scs_entry_jumppad:
0x0: {  	(pc) =	sbr.rel $0x88, $3  }
0x1: {  	(tag) =	ssettag $0x0;
	lr =	simm.s32 $0x1  }
0x2: {  	[smem:$0x3F9B] =	sst lr;
	_ =	strace $0xD0000000  }
0x3: {  	_ = 	snop  }
0x4: {  	_ = 	snop  }
0x5: {  	_ = 	snop  }
0x6: {  	_ = 	snop  }
0x7: {  	_ = 	snop  }
__scs_overlays_trampoline_lowered:
0x8: {  	[smem:$0x3FAA] =	sst s0  }
0x9: {  	[smem:$0x3FAB] =	sst s1  }
0xa: {  	[smem:$0x3FAC] =	sst s2  }
0xb: {  	[smem:$0x3FAD] =	sst s3  }
0xc: {  	[smem:$0x3FAE] =	sst s4  }
0xd: {  	[smem:$0x3FAF] =	sst s5  }
0xe: {  	[smem:$0x3FB0] =	sst s6  }
0xf: {  	[smem:$0x3FB1] =	sst s7  }
0x10: {  	[smem:$0x3FB2] =	sst s8  }
0x11: {  	[smem:$0x3FB3] =	sst s9;
	s0 =	simm.s32 @!p0 $0x0  }
0x12: {  	s1 =	sld [smem:$0x3F99];
	s0 =	simm.s32 @p0 $0x1  }
0x13: {  	[smem:$0x3FB4] =	sst s0;
	s0 =	simm.s32 @!p1 $0x0  }
0x14: {  	s2 =	sld [smem:$0x3F98];
	s0 =	simm.s32 @p1 $0x1  }
0x15: {  	[smem:$0x3FB5] =	sst s0;
	s0 =	simm.s32 @!p2 $0x0  }
0x16: {  	s3 =	sld [smem:$0x3FDB];
	s0 =	simm.s32 @p2 $0x1  }
0x17: {  	s4 =	simm.s32 $0x1BF5;
	[smem:$0x3FB7] =	sst s0  }
0x18: {  	s0 =	sld [smem:$0x3F9A];
	_ =	swait.ge [sflag:s4], $0x0  }
0x19: {  	s7 =	sld [smem:$0x3F9B]  }
0x1a: {  	s8 =	sadd.s32 $0xFFFFE003, lr  }
0x1b: {  	s9 =	sadd.s32 $0xFFFFFEF7, lr;
	s5 =	simm.s32 $0xFFFFFFFF;
	p2 =	slt.u32 s8, $0xFFFFF086  }
0x1c: {  	p1 =	slt.u32 s9, $0xF7A;
	s5 =	simm.s32 @!p2 $0x0  }
0x1d: {  	s5 =	simm.s32 @p1 $0x1;
	p0 =	seq.s32 s7, s2  }
0x1e: {  	s7 =	smul.u32 @!p0 $0xF7A, s2;
	p2 =	seq.s32 @!p0 s5, $0x0  }
0x1f: {  	s9 =	smul.u32 $0xF7A, s1;
	s8 =	simm.s32 @!p0 $0x1BF5;
	p2 =	por !p2, p0  }
0x20: {  	[sflag:s8] =	ssyncset.s32 @!p0 $0xFFFFF086;
	s6 =	sadd.s32 @!p0 s3, s7;
	s7 =	simm.s32 @!p0 $0x108  }
0x21: {  	s3 =	sadd.s32 s3, s9;
	s6 =	sadd.s32 @!p0 $0x88, s6;
	s7 =	simm.s32 @p2 $0x1082  }
0x22: {  	[simem:s7], [sflag:s8] =	dma.local @!p0 [hbm:s6], $0xF7A  }
0x23: {  	s9 =	sor.u32 $0xD0000000, s2;
	s6 =	simm.s32 $0x108;
	_ =	swait.ge @!p0 [sflag:s8], $0x0  }
0x24: {  	s3 =	sadd.s32 $0x88, s3;
	s6 =	simm.s32 @!p1 $0x1082;
	[sflag:s4] =	ssyncset.s32 $0xFFFFF086  }
0x25: {  	[simem:s6], [sflag:s4] =	dma.local [hbm:s3], $0xF7A  }
0x26: {  	[smem:$0x3F9B] =	sst s1;
	(tag) =	ssettag s2;
	_ =	strace s9  }
0x27: {  	s1 =	sld [smem:$0x3FAB]  }
0x28: {  	s2 =	sld [smem:$0x3FAC]  }
0x29: {  	s4 =	sld [smem:$0x3FAE]  }
0x2a: {  	p0 =	seq.s32 s5, $0x0;
	s5 =	sld [smem:$0x3FAF]  }
0x2b: {  	s6 =	sld [smem:$0x3FB0]  }
0x2c: {  	s7 =	sld [smem:$0x3FB1]  }
0x2d: {  	s3 =	simm.s32 $0x108;
	s8 =	sld [smem:$0x3FB2]  }
0x2e: {  	s3 =	simm.s32 @!p0 $0x1082;
	s9 =	sld [smem:$0x3FB3]  }
0x2f: {  	lr =	sadd.s32 s0, s3;
	s0 =	sld [smem:$0x3FAA]  }
0x30: {  	s3 =	sld [smem:$0x3FAD]  }
0x31: {  	[smem:$0x3FB6] =	sst s10  }
0x32: {  	s10 =	sld [smem:$0x3FB4];
	_ =	sdelay $0x3  }
0x33: {  	p0 =	seq.s32 s10, $0x1;
	s10 =	sld [smem:$0x3FB6];
	_ =	sdelay $0x3  }
0x34: {  	[smem:$0x3FB6] =	sst s10  }
0x35: {  	s10 =	sld [smem:$0x3FB5];
	_ =	sdelay $0x3  }
0x36: {  	p1 =	seq.s32 s10, $0x1;
	s10 =	sld [smem:$0x3FB6];
	_ =	sdelay $0x3  }
0x37: {  	[smem:$0x3FB6] =	sst s10  }
0x38: {  	s10 =	sld [smem:$0x3FB7]  }
0x39: {  	_ = 	snop;
	(pc) =	sbr.ind lr, $3  }
0x3a: {  	_ = 	snop  }
0x3b: {  	_ = 	snop  }
0x3c: {  	p2 =	seq.s32 s10, $0x1;
	s10 =	sld [smem:$0x3FB6]  }
0x3d: {  	_ =	shalt  }
0x3e: {  	_ =	shalt  }
0x3f: {  	_ =	shalt  }
0x40: {  	_ =	shalt  }
0x41: {  	_ =	shalt  }
0x42: {  	_ =	shalt  }
0x43: {  	_ =	shalt  }
0x44: {  	_ =	shalt  }
0x45: {  	_ =	shalt  }
0x46: {  	_ =	shalt  }
0x47: {  	_ =	shalt  }
0x48: {  	_ =	shalt  }
0x49: {  	_ =	shalt  }
0x4a: {  	_ =	shalt  }
0x4b: {  	_ =	shalt  }
0x4c: {  	_ =	shalt  }
0x4d: {  	_ =	shalt  }
0x4e: {  	_ =	shalt  }
0x4f: {  	_ =	shalt  }
0x50: {  	_ =	shalt  }
0x51: {  	_ =	shalt  }
0x52: {  	_ =	shalt  }
0x53: {  	_ =	shalt  }
0x54: {  	_ =	shalt  }
0x55: {  	_ =	shalt  }
0x56: {  	_ =	shalt  }
0x57: {  	_ =	shalt  }
0x58: {  	_ =	shalt  }
0x59: {  	_ =	shalt  }
0x5a: {  	_ =	shalt  }
0x5b: {  	_ =	shalt  }
0x5c: {  	_ =	shalt  }
0x5d: {  	_ =	shalt  }
0x5e: {  	_ =	shalt  }
0x5f: {  	_ =	shalt  }
0x60: {  	_ =	shalt  }
0x61: {  	_ =	shalt  }
0x62: {  	_ =	shalt  }
0x63: {  	_ =	shalt  }
0x64: {  	_ =	shalt  }
0x65: {  	_ =	shalt  }
0x66: {  	_ =	shalt  }
0x67: {  	_ =	shalt  }
0x68: {  	_ =	shalt  }
0x69: {  	_ =	shalt  }
0x6a: {  	_ =	shalt  }
0x6b: {  	_ =	shalt  }
0x6c: {  	_ =	shalt  }
0x6d: {  	_ =	shalt  }
0x6e: {  	_ =	shalt  }
0x6f: {  	_ =	shalt  }
0x70: {  	_ =	shalt  }
0x71: {  	_ =	shalt  }
0x72: {  	_ =	shalt  }
0x73: {  	_ =	shalt  }
0x74: {  	_ =	shalt  }
0x75: {  	_ =	shalt  }
0x76: {  	_ =	shalt  }
0x77: {  	_ =	shalt  }
0x78: {  	_ =	shalt  }
0x79: {  	_ =	shalt  }
0x7a: {  	_ =	shalt  }
0x7b: {  	_ =	shalt  }
0x7c: {  	_ =	shalt  }
0x7d: {  	_ =	shalt  }
0x7e: {  	_ =	shalt  }
0x7f: {  	_ =	shalt  }
0x80: {  	_ =	shalt  }
0x81: {  	_ =	shalt  }
0x82: {  	_ =	shalt  }
0x83: {  	_ =	shalt  }
0x84: {  	_ =	shalt  }
0x85: {  	_ =	shalt  }
0x86: {  	_ =	shalt  }
0x87: {  	_ =	shalt  }
.Lfunc_end0:
.L_simem_size_0:
called_computation_lowered:
.L_overlay_start_0:
0x88: {  	s2 =	sld [smem:$0x3FD9]  }
0x89: {  	s3 =	sld [smem:$0x3FFE];
	_ =	sdelay $0x1  }
0x8a: {  	s1 =	srdreg.scid  }
0x8b: {  	s0 =	sand.u32 $0x1, s1  }
0x8c: {  	s14 =	sshll.u32 s0, $0xA;
	s2 =	sadd.s32 s3, s2  }
0x8d: {  	s2 =	sadd.s32 s2, s14  }
0x8e: {  	[smem:$0x3FC2] =	sst s2  }
0x8f: {  	_ = 	snop  }
0x90: {  	s2 =	sld [smem:$0x3FD0];
	_ =	sdelay $0x2  }
0x91: {  	s15 =	simm.s32 $0xA;
	s4 =	simm.s32 $0x10  }
0x92: {  	[smem:s4], [sflag:s15] =	dma.local [hbm:s2], $0x1  }
0x93: {  	_ =	swait.eq [sflag:s15], $0x1  }
0x94: {  	[sflag:s15] =	ssyncset.done $0x0  }
0x95: {  	[sflag:s15] =	ssyncadd.s32 $0xFFFFFFFF  }
0x96: {  	s16 =	sld [smem:$0x11];
	(tm) =	ssettm $0x1  }
0x97: {  	s17 =	sld [smem:$0x3FFB];
	_ =	sdelay $0x3  }
0x98: {  	_ =	strace s17  }
0x99: {  	s3 =	sld [smem:$0x3FFC];
	_ =	sdelay $0x3  }
0x9a: {  	_ =	strace s3  }
0x9b: {  	s3 =	sld [smem:$0x3FFD];
	_ =	sdelay $0x3  }
0x9c: {  	_ =	strace s3  }
0x9d: {  	_ =	strace $0x8FFFFFFF  }
0x9e: {  	s18 =	sld [smem:$0x3FDB];
	_ =	sdelay $0x1  }
0x9f: {  	s19 =	simm.s32 $_scs_section_size  }
0xa0: {  	s5 =	simm.s32 $_size__tile_overlayer_lowered;
	s6 =	simm.s32 $_tile_overlayer_lowered  }
0xa1: {  	s22 =	simm.s32 $0x1BFF;
	s21 =	sshll.u32 s6, $0x1;
	s3 =	sadd.s32 s19, s18  }
0xa2: {  	s7 =	simm.s32 $0x0;
	s20 =	sshll.u32 s5, $0x1;
	s5 =	sadd.s32 s21, s3  }
0xa3: {  	[timem:s7], [sflag:s22] =	dma.local [hbm:s5], s20  }
0xa4: {  	_ =	swait.ge [sflag:s22], s20  }
0xa5: {  	s4 =	ssub.s32 $0x0, s20;
	[sflag:s22] =	ssyncset.done $0x0  }
0xa6: {  	[sflag:s22] =	ssyncadd.s32 s4;
	_ =	sdelay $0x1  }
0xa7: {  	s23 =	simm.s32 $0x1B8B  }
0xa8: {  	_ =	swait.ge [sflag:s23], $0x1  }
0xa9: {  	[sflag:s23] =	ssyncset.done $0x0  }
0xaa: {  	s25 =	simm.s32 $0x1B8E;
	s24 =	sld [smem:$0x3FFE];
	[sflag:s23] =	ssyncadd.s32 $0xFFFFFFFF  }
0xab: {  	s26 =	simm.s32 $execute0_lowered;
	[smem:$0x3FD2] =	sst s25  }
0xac: {  	s5 =	sshll.u32 s26, $0x1;
	_ =	strace $0x80000046;
	[dreg:$0x1] =	wrdreg $0xFFFFFFFF  }
0xad: {  	s28 =	simm.s32 $_size_execute0_lowered;
	s3 =	sadd.s32 s3, s5;
	[dreg:$0x0] =	wrdreg $0x0  }
0xae: {  	s5 =	sshll.u32 s28, $0x1;
	[dreg:$0x2] =	wrdreg s3  }
0xaf: {  	[dreg:$0x3] =	wrdreg s5  }
0xb0: {  	[dreg:$0x4] =	wrdreg $0xC0  }
0xb1: {  	_ =	task [dreg:s7], $0x5FFFF  }
0xb2: {  	[dreg:$0x1] =	wrdreg $0xFFFFFFFF  }
0xb3: {  	[dreg:$0x0] =	wrdreg $0x60  }
0xb4: {  	[dreg:$0x2] =	wrdreg s16  }
0xb5: {  	[dreg:$0x3] =	wrdreg s24  }
0xb6: {  	[dreg:$0x4] =	wrdreg $0x9  }
0xb7: {  	_ =	task.clear_ibuf [dreg:s7], $0x5FFFF;
	_ =	strace $0x90000046  }
0xb8: {  	s29 =	simm.s32 $0x9;
	_ =	strace $0x80000048  }
0xb9: {  	_ =	swait.ge [sflag:s29], $0x1  }
0xba: {  	[sflag:s29] =	ssyncadd.s32 $0xFFFFFFFF  }
0xbb: {  	_ =	strace $0x90000048  }
0xbc: {  	_ =	sfence  }
0xbd: {  	s30 =	sld [smem:$0x0];
	_ =	sdelay $0x2  }
0xbe: {  	s31 =	sshll.u32 s1, $0xD;
	s1 =	sshrl.u32 s1, $0x2  }
0xbf: {  	s3 =	sand.u32 $0x4000, s31;
	s1 =	sadd.s32 s1, s30  }
0xc0: {  	s0 =	sor.u32 s3, s0;
	s1 =	sshll.u32 s1, $0x11  }
0xc1: {  	s0 =	sor.u32 s1, s0  }
0xc2: {  	s0 =	sadd.s32 $0x8F2B, s0  }
0xc3: {  	[sflag:s0] =	ssyncadd.remote.s32 $0x1  }
0xc4: {  	_ =	sfence.sel $0xFFFF  }
0xc5: {  	[dreg:$0x0] =	wrdreg $0xFFFFFFFF;
	(pc) =	sbr.abs _section_cstart, $3  }
0xc6: {  	[dreg:$0x1] =	wrdreg $0xFFFFFFFF  }
0xc7: {  	_ =	task.clear_ibuf [dreg:s7], $0x2FFFF;
	_ =	strace $0x9FFFFFFF  }
0xc8: {  	(tm) =	ssettm $0x7FFFFFFF  }
0xc9: {  	_ =	shalt  }
tec
execute0_lowered:
.L_overlay_start_1:
0x0: {  	(tag) =	ssettag $0x1  }
0x1: {  	s7 =	rddreg [dreg:$0x0]  }
0x2: {  	s3 =	rddreg [dreg:$0x1]  }
0x3: {  	s0 =	rddreg [dreg:$0x2];
	s1 =	simm.s32 $0x0;
	s4 =	srdreg.scid  }
0x4: {  	s2 =	stileid.u32;
	s15 =	simm.s32 $0x2000;
	s16 =	simm.s32 $0x2080  }
0x5: {  	s17 =	simm.s32 $0x2100;
	s18 =	simm.s32 $0x0;
	[smem:$0x7FF] =	sst s1  }
0x6: {  	s8 =	sadd.s32 $0xE00, s3;
	s9 =	sadd.s32 $0x1200, s3;
	s4 =	sand.u32 $0x1, s4  }
0x7: {  	v0 =	vimm.f32 $5.000000000e+00;
	s5 =	sshll.u32 s2, $0x9;
	s6 =	sshrl.u32 s2, $0x1;
	_ =	strace $0x80000047  }
0x8: {  	s25 =	ssub.s32 $0x2, s4;
	s4 =	sshll.u32 s4, $0x8;
	s5 =	sand.u32 $0x200, s5;
	(erf) = vrcp.f32 v0  }
0x9: {  	s10 =	sadd.s32 $0x1600, s3;
	s11 =	sshll.u32 s6, $0x10;
	s5 =	sor.u32 s4, s5  }
0xa: {  	s6 =	sshll.u32 s6, $0xA;
	s26 =	sshrl.u32 s25, $0x1;
	s12 =	sor.u32 s11, s5  }
0xb: {  	s13 =	sor.u32 s6, s5;
	s14 =	ssub.s32 s25, s26;
	s30 =	sor.u32 $0x80, s5  }
0xc: {  	s28 =	sshrl.u32 s12, $0x3;
	s29 =	sshrl.u32 s13, $0x3;
	s11 =	sor.u32 s11, s30  }
0xd: {  	s13 =	sor.u32 s6, s30;
	s12 =	simm.s32 $0x80;
	s3 =	sadd.s32 s7, s28  }
0xe: {  	s4 =	sadd.s32 s8, s29;
	s5 =	sadd.s32 s9, s29;
	s6 =	sadd.s32 s10, s29  }
0xf: {  	s11 =	sshrl.u32 s11, $0x3;
	s31 =	sshrl.u32 s13, $0x3;
	s13 =	simm.s32 $0x400  }
0x10: {  	s7 =	sadd.s32 s7, s11;
	s8 =	sadd.s32 s8, s31;
	s9 =	sadd.s32 s9, s31  }
0x11: {  	v1 =	vlaneseq.u32;
	v2 =	vimm.f32 $0.0e+00;
	s10 =	sadd.s32 s10, s31;
	s11 =	smax.u32 s14, $0x1;
	s14 =	simm.s32 $0x1;
	v0 =	vpop (erf)  }
.LBB2_1:
0x12: {  	[tilespmem:s1], [sflag:$0x1] =	stream.strided.gather [hbm4b:s3+s12], $0x2000, s13, s12, $0x38;
	[tilespmem:$0x2180] =	vst v63  }
0x13: {  	_ =	swait.ge [sflag:s14], $0x2000  }
0x14: {  	[sflag:s14] =	ssyncset.done $0x0  }
0x15: {  	[sflag:s14] =	ssyncadd.s32 $0xFFFFE000  }
0x16: {  	v3 =	vld [tilespmem:$0x0];
	_ =	sdelay $0x4  }
0x17: {  	(xrf1) =	vsort.dscd.msk.f32 $0xffff, v3, v1;
	_ =	sdelay $0xd  }
0x18: {  	v3, v5, _ =	vpop (xrf1)  }
0x19: {  	(xrf0) =	vmin.scan.msk.f32 $0xffff, v3;
	_ =	sdelay $0x5  }
0x1a: {  	v4, _, _ =	vpop (xrf0)  }
0x1b: {  	(v2sf) =	vpush v4, $0xF;
	_ =	sdelay $0x9  }
0x1c: {  	s20 =	simm.s32 $0x10  }
0x1d: {  	v4 =	vld [tilespmem:s20+$0x0];
	_ =	sdelay $0x3  }
0x1e: {  	s19 =	spop (v2sf)  }
0x1f: {  	vm0 =	vgt.f32 v4, s19  }
0x20: {  	v6 =	vsel vm0, $0x3F800000, v2  }
0x21: {  	(xrf0) =	vmax.scan.msk.f32 $0xffff, v6;
	_ =	sdelay $0x5  }
0x22: {  	v6, _, _ =	vpop (xrf0)  }
0x23: {  	(v2sf) =	vpush v6, $0xF;
	_ =	sdelay $0xe  }
0x24: {  	s21 =	spop (v2sf)  }
0x25: {  	p0 =	sgt.f32 s21, $0.0e+00;
	_ =	sdelay $0x1  }
0x26: {  	v6 =	vlaneseq.u32 @p0  }
0x27: {  	v6 =	vor.u32 @p0 s20, v6  }
0x28: {  	(xrf1) =	vsort.ascd.msk.f32 @p0 $0xffff, v4, v6;
	_ =	sdelay $0xd  }
0x29: {  	v4, v6, _ =	vpop @p0 (xrf1)  }
0x2a: {  	vm0 =	vge.f32 @p0 v3, v4  }
0x2b: {  	v4 =	vmax.f32 @p0 v3, v4;
	v6 =	vsel @p0 vm0, v5, v6  }
0x2c: {  	(xrf1) =	vsort.dscd.msk.f32 @p0 $0xffff, v4, v6;
	_ =	sdelay $0xd  }
0x2d: {  	v4, v6, _ =	vpop @p0 (xrf1)  }
0x2e: {  	(xrf0) =	vmin.scan.msk.f32 @p0 $0xffff, v4;
	_ =	sdelay $0x5  }
0x2f: {  	v7, _, _ =	vpop @p0 (xrf0)  }
0x30: {  	(v2sf) =	vpush @p0 v7, $0xF;
	_ =	sdelay $0xa  }
0x31: {  	s21 =	simm.s32 $0x20;
	s20 =	simm.s32 $0x20;
	v4 =	vpsel p0, v4, v3;
	v3 =	vpsel p0, v6, v5  }
.LBB2_2:
0x32: {  	v5 =	vld [tilespmem:s20+$0x0];
	s22 =	smov.u32 s21;
	s21 =	sadd.s32 $0x10, s21  }
0x33: {  	p1 =	sne.s32 s21, $0x2000;
	_ =	sdelay $0x1  }
0x34: {  	s23 =	spop @p0 (v2sf)  }
0x35: {  	s19 =	smov.u32 @p0 s23  }
0x36: {  	vm0 =	vgt.f32 v5, s19  }
0x37: {  	v6 =	vsel vm0, $0x3F800000, v2  }
0x38: {  	(xrf0) =	vmax.scan.msk.f32 $0xffff, v6;
	_ =	sdelay $0x5  }
0x39: {  	v6, _, _ =	vpop (xrf0)  }
0x3a: {  	(v2sf) =	vpush v6, $0xF;
	_ =	sdelay $0xe  }
0x3b: {  	s23 =	spop (v2sf)  }
0x3c: {  	p0 =	sgt.f32 s23, $0.0e+00;
	_ =	sdelay $0x1  }
0x3d: {  	v6 =	vlaneseq.u32 @p0  }
0x3e: {  	v6 =	vor.u32 @p0 s22, v6  }
0x3f: {  	(xrf1) =	vsort.ascd.msk.f32 @p0 $0xffff, v5, v6;
	_ =	sdelay $0xd  }
0x40: {  	v5, v6, _ =	vpop @p0 (xrf1)  }
0x41: {  	vm0 =	vge.f32 @p0 v4, v5  }
0x42: {  	v5 =	vmax.f32 @p0 v4, v5;
	v6 =	vsel @p0 vm0, v3, v6  }
0x43: {  	(xrf1) =	vsort.dscd.msk.f32 @p0 $0xffff, v5, v6;
	_ =	sdelay $0xd  }
0x44: {  	v5, v6, _ =	vpop @p0 (xrf1)  }
0x45: {  	v4 =	vpsel p0, v5, v4;
	v3 =	vpsel p0, v6, v3;
	(xrf0) =	vmin.scan.msk.f32 @p0 $0xffff, v5;
	_ =	sdelay $0x5  }
0x46: {  	v5, _, _ =	vpop @p0 (xrf0)  }
0x47: {  	(v2sf) =	vpush @p0 v5, $0xF;
	_ =	sdelay $0x6  }
.Ltmp0:
0x48: {  	(pc) =	sbr.rel @p1 .LBB2_2-.Ltmp0, $2  }
0x49: {  	_ =	sdelay $0x2  }
0x4a: {  	s20 =	sadd.s32 $0x10, s20  }
0x4b: {  	(xrf0) =	vmax.scan.msk.f32 $0xffff, v4;
	_ =	sdelay $0x5  }
0x4c: {  	v5, _, _ =	vpop (xrf0)  }
0x4d: {  	v5 =	vbroadcast v5, $0xF;
	_ =	sdelay $0x1  }
0x4e: {  	v4 =	vsub.f32 v4, v5;
	_ =	sdelay $0x1  }
0x4f: {  	v4 =	vmul.f32 v4, v0;
	_ =	sdelay $0x1  }
0x50: {  	v4 =	vmul.f32 $1.442695020e+00, v4;
	_ =	sdelay $0x1  }
0x51: {  	(erf) = vpow2.f32 v4;
	_ =	sdelay $0x8  }
0x52: {  	v4 =	vpop (erf)  }
0x53: {  	(xrf2) =	vadd.scan.msk.f32 $0xffff, v4;
	_ =	sdelay $0x9  }
0x54: {  	v5, _, _ =	vpop (xrf2)  }
0x55: {  	v5 =	vbroadcast v5, $0xF;
	_ =	sdelay $0x1  }
0x56: {  	(erf) = vrcp.f32 v5;
	_ =	sdelay $0x8  }
0x57: {  	v5 =	vpop (erf)  }
0x58: {  	v6 =	vshll.u32 v3, $0x7;
	[tilespmem:$0x2080] =	vst v3;
	v4 =	vmul.f32 v5, v4  }
0x59: {  	[tilespmem:$0x2000] =	vst v6  }
0x5a: {  	s19 =	spop @p0 (v2sf);
	[tilespmem:$0x2100] =	vst v4  }
0x5b: {  	[hbm4b:s4+s1] =	stream.linear.scatter [tilespmem:s15], [sflag:$0x1], $0x80, $0x38;
	[tilespmem:$0x2180] =	vst v63  }
0x5c: {  	_ =	swait.ge [sflag:s14], $0x80  }
0x5d: {  	[sflag:s14] =	ssyncset.done $0x0  }
0x5e: {  	[sflag:s14] =	ssyncadd.s32 $0xFFFFFF80  }
0x5f: {  	[hbm4b:s5+s1] =	stream.linear.scatter [tilespmem:s16], [sflag:$0x1], $0x80, $0x38;
	[tilespmem:$0x2180] =	vst v63  }
0x60: {  	_ =	swait.ge [sflag:s14], $0x80  }
0x61: {  	[sflag:s14] =	ssyncset.done $0x0  }
0x62: {  	[sflag:s14] =	ssyncadd.s32 $0xFFFFFF80  }
0x63: {  	[hbm4b:s6+s1] =	stream.linear.scatter [tilespmem:s17], [sflag:$0x1], $0x80, $0x38;
	[tilespmem:$0x2180] =	vst v63  }
0x64: {  	_ =	swait.ge [sflag:s14], $0x80  }
0x65: {  	[sflag:s14] =	ssyncset.done $0x0  }
0x66: {  	[sflag:s14] =	ssyncadd.s32 $0xFFFFFF80  }
0x67: {  	[tilespmem:s1], [sflag:$0x1] =	stream.strided.gather [hbm4b:s7+s12], $0x2000, s13, s12, $0x38;
	[tilespmem:$0x2180] =	vst v63  }
0x68: {  	_ =	swait.ge [sflag:s14], $0x2000  }
0x69: {  	[sflag:s14] =	ssyncset.done $0x0  }
0x6a: {  	[sflag:s14] =	ssyncadd.s32 $0xFFFFE000  }
0x6b: {  	v3 =	vld [tilespmem:$0x0];
	_ =	sdelay $0x4  }
0x6c: {  	(xrf1) =	vsort.dscd.msk.f32 $0xffff, v3, v1;
	_ =	sdelay $0xd  }
0x6d: {  	v3, v5, _ =	vpop (xrf1)  }
0x6e: {  	(xrf0) =	vmin.scan.msk.f32 $0xffff, v3;
	_ =	sdelay $0x5  }
0x6f: {  	v4, _, _ =	vpop (xrf0)  }
0x70: {  	(v2sf) =	vpush v4, $0xF;
	_ =	sdelay $0x9  }
0x71: {  	s20 =	simm.s32 $0x10  }
0x72: {  	v4 =	vld [tilespmem:s20+$0x0];
	_ =	sdelay $0x3  }
0x73: {  	s19 =	spop (v2sf)  }
0x74: {  	vm0 =	vgt.f32 v4, s19  }
0x75: {  	v6 =	vsel vm0, $0x3F800000, v2  }
0x76: {  	(xrf0) =	vmax.scan.msk.f32 $0xffff, v6;
	_ =	sdelay $0x5  }
0x77: {  	v6, _, _ =	vpop (xrf0)  }
0x78: {  	(v2sf) =	vpush v6, $0xF;
	_ =	sdelay $0xe  }
0x79: {  	s21 =	spop (v2sf)  }
0x7a: {  	p0 =	sgt.f32 s21, $0.0e+00;
	_ =	sdelay $0x1  }
0x7b: {  	v6 =	vlaneseq.u32 @p0  }
0x7c: {  	v6 =	vor.u32 @p0 s20, v6  }
0x7d: {  	(xrf1) =	vsort.ascd.msk.f32 @p0 $0xffff, v4, v6;
	_ =	sdelay $0xd  }
0x7e: {  	v4, v6, _ =	vpop @p0 (xrf1)  }
0x7f: {  	vm0 =	vge.f32 @p0 v3, v4  }
0x80: {  	v4 =	vmax.f32 @p0 v3, v4;
	v6 =	vsel @p0 vm0, v5, v6  }
0x81: {  	(xrf1) =	vsort.dscd.msk.f32 @p0 $0xffff, v4, v6;
	_ =	sdelay $0xd  }
0x82: {  	v4, v6, _ =	vpop @p0 (xrf1)  }
0x83: {  	(xrf0) =	vmin.scan.msk.f32 @p0 $0xffff, v4;
	_ =	sdelay $0x5  }
0x84: {  	v7, _, _ =	vpop @p0 (xrf0)  }
0x85: {  	(v2sf) =	vpush @p0 v7, $0xF;
	_ =	sdelay $0xa  }
0x86: {  	s21 =	simm.s32 $0x20;
	s20 =	simm.s32 $0x20;
	v4 =	vpsel p0, v4, v3;
	v3 =	vpsel p0, v6, v5  }
.LBB2_4:
0x87: {  	v5 =	vld [tilespmem:s20+$0x0];
	s22 =	smov.u32 s21;
	s21 =	sadd.s32 $0x10, s21  }
0x88: {  	p1 =	sne.s32 s21, $0x2000;
	_ =	sdelay $0x1  }
0x89: {  	s23 =	spop @p0 (v2sf)  }
0x8a: {  	s19 =	smov.u32 @p0 s23  }
0x8b: {  	vm0 =	vgt.f32 v5, s19  }
0x8c: {  	v6 =	vsel vm0, $0x3F800000, v2  }
0x8d: {  	(xrf0) =	vmax.scan.msk.f32 $0xffff, v6;
	_ =	sdelay $0x5  }
0x8e: {  	v6, _, _ =	vpop (xrf0)  }
0x8f: {  	(v2sf) =	vpush v6, $0xF;
	_ =	sdelay $0xe  }
0x90: {  	s23 =	spop (v2sf)  }
0x91: {  	p0 =	sgt.f32 s23, $0.0e+00;
	_ =	sdelay $0x1  }
0x92: {  	v6 =	vlaneseq.u32 @p0  }
0x93: {  	v6 =	vor.u32 @p0 s22, v6  }
0x94: {  	(xrf1) =	vsort.ascd.msk.f32 @p0 $0xffff, v5, v6;
	_ =	sdelay $0xd  }
0x95: {  	v5, v6, _ =	vpop @p0 (xrf1)  }
0x96: {  	vm0 =	vge.f32 @p0 v4, v5  }
0x97: {  	v5 =	vmax.f32 @p0 v4, v5;
	v6 =	vsel @p0 vm0, v3, v6  }
0x98: {  	(xrf1) =	vsort.dscd.msk.f32 @p0 $0xffff, v5, v6;
	_ =	sdelay $0xd  }
0x99: {  	v5, v6, _ =	vpop @p0 (xrf1)  }
0x9a: {  	v4 =	vpsel p0, v5, v4;
	v3 =	vpsel p0, v6, v3;
	(xrf0) =	vmin.scan.msk.f32 @p0 $0xffff, v5;
	_ =	sdelay $0x5  }
0x9b: {  	v5, _, _ =	vpop @p0 (xrf0)  }
0x9c: {  	(v2sf) =	vpush @p0 v5, $0xF;
	_ =	sdelay $0x6  }
.Ltmp1:
0x9d: {  	(pc) =	sbr.rel @p1 .LBB2_4-.Ltmp1, $2  }
0x9e: {  	_ =	sdelay $0x2  }
0x9f: {  	s20 =	sadd.s32 $0x10, s20  }
0xa0: {  	(xrf0) =	vmax.scan.msk.f32 $0xffff, v4;
	_ =	sdelay $0x5  }
0xa1: {  	v5, _, _ =	vpop (xrf0)  }
0xa2: {  	v5 =	vbroadcast v5, $0xF;
	_ =	sdelay $0x1  }
0xa3: {  	v62 =	vsub.f32 v4, v5;
	_ =	sdelay $0x1  }
0xa4: {  	v4 =	vmul.f32 v62, v0;
	_ =	sdelay $0x1  }
0xa5: {  	v4 =	vmul.f32 $1.442695020e+00, v4;
	_ =	sdelay $0x1  }
0xa6: {  	(erf) = vpow2.f32 v4;
	_ =	sdelay $0x8  }
0xa7: {  	v4 =	vpop (erf)  }
0xa8: {  	(xrf2) =	vadd.scan.msk.f32 $0xffff, v4;
	_ =	sdelay $0x9  }
0xa9: {  	v63, _, _ =	vpop (xrf2)  }
0xaa: {  	v5 =	vbroadcast v63, $0xF;
	_ =	sdelay $0x1  }
0xab: {  	(erf) = vrcp.f32 v5;
	_ =	sdelay $0x8  }
0xac: {  	v5 =	vpop (erf)  }
0xad: {  	v6 =	vshll.u32 v3, $0x7;
	[tilespmem:$0x2080] =	vst v3;
	v4 =	vmul.f32 v5, v4  }
0xae: {  	[tilespmem:$0x2000] =	vst v6  }
0xaf: {  	s19 =	spop @p0 (v2sf);
	[tilespmem:$0x2100] =	vst v4  }
0xb0: {  	[hbm4b:s8+s1] =	stream.linear.scatter [tilespmem:s15], [sflag:$0x1], $0x80, $0x38;
	[tilespmem:$0x2180] =	vst v63  }
0xb1: {  	_ =	swait.ge [sflag:s14], $0x80  }
0xb2: {  	[sflag:s14] =	ssyncset.done $0x0  }
0xb3: {  	[sflag:s14] =	ssyncadd.s32 $0xFFFFFF80  }
0xb4: {  	[hbm4b:s9+s1] =	stream.linear.scatter [tilespmem:s16], [sflag:$0x1], $0x80, $0x38;
	[tilespmem:$0x2180] =	vst v63  }
0xb5: {  	s18 =	sadd.s32 $0x1, s18;
	_ =	swait.ge [sflag:s14], $0x80  }
0xb6: {  	p0 =	sne.s32 s18, s11;
	[sflag:s14] =	ssyncset.done $0x0  }
.Ltmp2:
0xb7: {  	[sflag:s14] =	ssyncadd.s32 $0xFFFFFF80;
	(pc) =	sbr.rel @p0 .LBB2_1-.Ltmp2, $4  }
0xb8: {  	[hbm4b:s10+s1] =	stream.linear.scatter [tilespmem:s17], [sflag:$0x1], $0x80, $0x38;
	[tilespmem:$0x2180] =	vst v63  }
0xb9: {  	_ =	swait.ge [sflag:s14], $0x80  }
0xba: {  	[sflag:s14] =	ssyncset.done $0x0  }
0xbb: {  	[sflag:s14] =	ssyncadd.s32 $0xFFFFFF80  }
0xbc: {  	_ =	sfence.sel $0x180000  }
0xbd: {  	[bflag:$0x0] =	sbarrier.arrive $0xFFFF  }
0xbe: {  	p0 =	sne.s32 s2, $0x0;
	_ =	strace $0x90000047  }
0xbf: {  	s0 =	sadd.s32 @!p0 $0x100000, s0;
	[bflag:$0x2] =	sbarrier.arrive $0xFFFF  }
0xc0: {  	[sflag:s0] =	ssyncadd.tile.s32 @!p0 $0x1;
	_ =	shalt  }
.Lfunc_end2:
_tile_overlayer_lowered:
.L_overlay_start_2:
0xc1: {  	(tag) =	ssettag $0x2  }
0xc2: {  	s0 =	rddreg [dreg:$0x0];
	s2 =	stileid.u32  }
0xc3: {  	s1 =	rddreg [dreg:$0x1];
	p0 =	sne.s32 s2, $0x0  }
0xc4: {  	s3 =	rddreg [dreg:$0x2];
	[bflag:$0x3] =	sbarrier.arrive $0xFFFF;
	s2 =	simm.s32 @!p0 $0x1C01  }
0xc5: {  	[timem:s3], [sflag:s2] =	dma.local @!p0 [hbm:s0], s1  }
0xc6: {  	s0 =	simm.s32 @!p0 $0x1  }
0xc7: {  	_ =	swait.ge @!p0 [sflag:s0], s1  }
0xc8: {  	s1 =	ssub.s32 @!p0 $0x0, s1;
	[sflag:s0] =	ssyncset.done @!p0 $0x0  }
0xc9: {  	[sflag:s0] =	ssyncadd.s32 @!p0 s1  }
0xca: {  	[bflag:$0x3] =	sbarrier.arrive $0xFFFF  }
0xcb: {  	_ =	shalt  }

</sc_bundles>
